<compile_context>
chip_gen: v7x
topology: tpu7x:2x2x1
jax: 0.10.2.dev20260603
libtpu: 0.0.44.dev20260713+nightly
codegen_flags: <defaults>
</compile_context>

<pallas_src>
import functools

import jax
import jax.numpy as jnp
from jax import lax
from jax.experimental import pallas as pl
from jax.experimental.pallas import tpu as pltpu
from jax.experimental.pallas import tpu_sc as plsc

HIDDEN = 2048
NUM_CORES = 2
NUM_SUBCORES = 16
NUM_WORKERS = NUM_CORES * NUM_SUBCORES
CHUNK = 8
NBUF = 4


def _emb_body(table_hbm, ids_hbm, out_hbm, idx_v, *rest):
    bufs = rest[:NBUF]
    gsems = rest[NBUF:2 * NBUF]
    osems = rest[2 * NBUF:]
    b_per_w = idx_v.shape[0]
    nchunk = b_per_w // CHUNK
    ngroup = nchunk // NBUF
    wid = lax.axis_index("s") * NUM_CORES + lax.axis_index("c")
    base = wid * b_per_w
    pltpu.sync_copy(ids_hbm.at[pl.ds(base, b_per_w)], idx_v)

    def g_start(c, b):
        pltpu.async_copy(
            table_hbm.at[idx_v.at[pl.ds(c * CHUNK, CHUNK)]], bufs[b], gsems[b]
        )

    def g_wait(b):
        pltpu.make_async_copy(table_hbm.at[pl.ds(0, CHUNK)], bufs[b],
                              gsems[b]).wait()

    def o_start(c, b):
        pltpu.async_copy(bufs[b], out_hbm.at[pl.ds(base + c * CHUNK, CHUNK)],
                         osems[b])

    def o_wait(b):
        pltpu.make_async_copy(bufs[b], out_hbm.at[pl.ds(base, CHUNK)],
                              osems[b]).wait()

    def group_step(p, carry):
        for b in range(NBUF):

            @pl.when(p > 0)
            def _():
                o_wait(b)

            g_start(p * NBUF + b, b)
        for b in range(NBUF):
            g_wait(b)
            o_start(p * NBUF + b, b)
        return carry

    lax.fori_loop(0, ngroup, group_step, 0)
    for b in range(NBUF):
        o_wait(b)


def kernel(input_ids, word_embeddings):
    batch, seq = input_ids.shape
    total = batch * seq
    b_per_w = total // NUM_WORKERS
    ids = input_ids.reshape(total).astype(jnp.int32)

    mesh = plsc.VectorSubcoreMesh(core_axis_name="c", subcore_axis_name="s")
    out = pl.kernel(
        _emb_body,
        out_type=jax.ShapeDtypeStruct((total, HIDDEN), jnp.float32),
        mesh=mesh,
        scratch_types=(
            [pltpu.VMEM((b_per_w,), jnp.int32)]
            + [pltpu.VMEM((CHUNK, HIDDEN), jnp.float32) for _ in range(NBUF)]
            + [pltpu.SemaphoreType.DMA for _ in range(2 * NBUF)]
        ),
    )(word_embeddings, ids)
    return out.reshape(batch, seq, HIDDEN)

# --- scband reference (transcript-rebuilt; emitter-appended) ---
"""Pipeline reference for scband-glm4-embeddings-89172111000196 (READ-ONLY COPY).

The authoritative reference and input builder live on the scoring server;
editing this copy changes nothing except your own understanding.
"""

import jax, jax.numpy as jnp
import numpy as np

VOCAB_SIZE = 100000
HIDDEN_SIZE = 2048
BATCH = 4
SEQ_LEN = 8192


def setup_inputs(seed: int = 0) -> dict:
    key = jax.random.key(seed)
    k_ids, k_tab = jax.random.split(key)
    input_ids = jax.random.randint(k_ids, (BATCH, SEQ_LEN), 0, VOCAB_SIZE, dtype=jnp.int64)
    word_embeddings = jax.random.normal(k_tab, (VOCAB_SIZE, HIDDEN_SIZE), dtype=jnp.float32) * 0.02
    return {"input_ids": input_ids, "word_embeddings": word_embeddings}


def reference(input_ids, word_embeddings):
    # Faithful translation of nn.Embedding lookup: gather rows of the table.
    # (batch, seq_len) -> (batch, seq_len, hidden_size)
    return jnp.take(word_embeddings, input_ids, axis=0)

if __name__ == "__main__":
    import jax
    _d = setup_inputs()
    print(jax.jit(kernel)(*tuple(_d.values())))

</pallas_src>

<mosaic_0001>
#map = affine_map<(d0, d1) -> (0, 0)>
#map1 = affine_map<(d0, d1) -> (0)>
module attributes {stable_mosaic.version = 14 : i64} {
  func.func @_emb_body(%arg0: i32, %arg1: i32, %arg2: memref<100000x2048xf32, #tpu.memory_space<hbm>>, %arg3: memref<32768xi32, #tpu.memory_space<hbm>>, %arg4: memref<32768x2048xf32, #tpu.memory_space<hbm>>, %arg5: memref<1024xi32, #tpu.memory_space<vmem>>, %arg6: memref<8x2048xf32, #tpu.memory_space<vmem>>, %arg7: memref<8x2048xf32, #tpu.memory_space<vmem>>, %arg8: memref<8x2048xf32, #tpu.memory_space<vmem>>, %arg9: memref<8x2048xf32, #tpu.memory_space<vmem>>, %arg10: memref<!tpu.dma_semaphore, #tpu.memory_space<semaphore_mem>>, %arg11: memref<!tpu.dma_semaphore, #tpu.memory_space<semaphore_mem>>, %arg12: memref<!tpu.dma_semaphore, #tpu.memory_space<semaphore_mem>>, %arg13: memref<!tpu.dma_semaphore, #tpu.memory_space<semaphore_mem>>, %arg14: memref<!tpu.dma_semaphore, #tpu.memory_space<semaphore_mem>>, %arg15: memref<!tpu.dma_semaphore, #tpu.memory_space<semaphore_mem>>, %arg16: memref<!tpu.dma_semaphore, #tpu.memory_space<semaphore_mem>>, %arg17: memref<!tpu.dma_semaphore, #tpu.memory_space<semaphore_mem>>) attributes {dimension_semantics = [#tpu.dimension_semantics<core_parallel>, #tpu.dimension_semantics<subcore_parallel>], iteration_bounds = array<i64: 2, 16>, scalar_prefetch = 0 : i64, scratch_operands = 13 : i64, tpu.core_type = #tpu.core_type<sc_vector_subcore>, window_params = [{transform_indices = #map}, {transform_indices = #map1}, {transform_indices = #map}]} {
    %mul3A = arith.constant 2 : i32
    %mul3A_0 = arith.muli %arg1, %mul3A : i32
    %add3A = arith.addi %mul3A_0, %arg0 : i32
    %mul3A_1 = arith.constant 1024 : i32
    %mul3A_2 = arith.muli %add3A, %mul3A_1 : i32
    "tpu.region"() ({
      %run_scoped3A = tpu.sem_alloc : memref<!tpu.dma_semaphore, #tpu.memory_space<semaphore_mem>>
      %dma_start3A = tpu.memref_slice %arg3[%mul3A_2] : memref<32768xi32, #tpu.memory_space<hbm>> -> memref<1024xi32, #tpu.memory_space<hbm>>
      %dma_start3A_23 = tpu.memref_slice %arg3[%mul3A_2] : memref<32768xi32, #tpu.memory_space<hbm>> -> memref<1024xi32, #tpu.memory_space<hbm>>
      tpu.enqueue_dma source(%dma_start3A_23 : memref<1024xi32, #tpu.memory_space<hbm>>) target(%arg5 : memref<1024xi32, #tpu.memory_space<vmem>>) target_semaphore(%run_scoped3A : memref<!tpu.dma_semaphore, #tpu.memory_space<semaphore_mem>>)
      %dma_wait3A_24 = tpu.memref_slice %arg3[%mul3A_2] : memref<32768xi32, #tpu.memory_space<hbm>> -> memref<1024xi32, #tpu.memory_space<hbm>>
      %dma_wait3A_25 = tpu.memref_slice %arg3[%mul3A_2] : memref<32768xi32, #tpu.memory_space<hbm>> -> memref<1024xi32, #tpu.memory_space<hbm>>
      tpu.wait_dma2 semaphore(%run_scoped3A : memref<!tpu.dma_semaphore, #tpu.memory_space<semaphore_mem>>) src(%dma_wait3A_25 : memref<1024xi32, #tpu.memory_space<hbm>>) dst(%arg5 : memref<1024xi32, #tpu.memory_space<vmem>>)
      tpu.yield
    }) : () -> ()
    %scan3A = arith.constant 0 : i32
    %scan3A_3 = arith.constant 0 : i32
    %scan3A_4 = arith.constant 32 : i32
    %scan3A_5 = arith.addi %scan3A_3, %scan3A_4 : i32
    %scan3A_6 = arith.constant 1 : i32
    scf.for %scan3A_23 = %scan3A_3 to %scan3A_5 step %scan3A_6  : i32 {
      %gt3A = arith.constant 0 : i32
      %gt3A_24 = arith.cmpi sgt, %scan3A_23, %gt3A : i32
      %convert_element_type3A = arith.extui %gt3A_24 : i1 to i32
      %cond3A = arith.constant 0 : i32
      %cond3A_25 = arith.cmpi ne, %convert_element_type3A, %cond3A : i32
      scf.if %cond3A_25 {
        %dma_wait3A_148 = arith.constant 0 : i32
        %dma_wait3A_149 = tpu.memref_slice %arg4[%mul3A_2, %dma_wait3A_148] : memref<32768x2048xf32, #tpu.memory_space<hbm>> -> memref<8x2048xf32, #tpu.memory_space<hbm>>
        %dma_wait3A_150 = arith.constant 0 : i32
        %dma_wait3A_151 = tpu.memref_slice %arg4[%mul3A_2, %dma_wait3A_150] : memref<32768x2048xf32, #tpu.memory_space<hbm>> -> memref<8x2048xf32, #tpu.memory_space<hbm>>
        tpu.wait_dma2 semaphore(%arg14 : memref<!tpu.dma_semaphore, #tpu.memory_space<semaphore_mem>>) src(%arg6 : memref<8x2048xf32, #tpu.memory_space<vmem>>) dst(%dma_wait3A_151 : memref<8x2048xf32, #tpu.memory_space<hbm>>)
      } else {
      }
      %mul3A_26 = arith.constant 4 : i32
      %mul3A_27 = arith.muli %scan3A_23, %mul3A_26 : i32
      %add3A_28 = arith.constant 0 : i32
      %add3A_29 = arith.addi %mul3A_27, %add3A_28 : i32
      %mul3A_30 = arith.constant 8 : i32
      %mul3A_31 = arith.muli %add3A_29, %mul3A_30 : i32
      %dma_start3A = tpu.memref_slice %arg5[%mul3A_31] : memref<1024xi32, #tpu.memory_space<vmem>> -> memref<8xi32, #tpu.memory_space<vmem>>
      %dma_start3A_32 = arith.constant 0 : i32
      %dma_start3A_33 = arith.constant 0 : i32
      %dma_start3A_34 = tpu.memref_slice %arg2[%dma_start3A_32, %dma_start3A_33] : memref<100000x2048xf32, #tpu.memory_space<hbm>> -> memref<100000x2048xf32, #tpu.memory_space<hbm>>
      tpu.enqueue_indirect_dma source(%dma_start3A_34 : memref<100000x2048xf32, #tpu.memory_space<hbm>>) target(%arg6 : memref<8x2048xf32, #tpu.memory_space<vmem>>) offsets(%dma_start3A : memref<8xi32, #tpu.memory_space<vmem>>) semaphore(%arg10 : memref<!tpu.dma_semaphore, #tpu.memory_space<semaphore_mem>>)
      %gt3A_35 = arith.constant 0 : i32
      %gt3A_36 = arith.cmpi sgt, %scan3A_23, %gt3A_35 : i32
      %convert_element_type3A_37 = arith.extui %gt3A_36 : i1 to i32
      %cond3A_38 = arith.constant 0 : i32
      %cond3A_39 = arith.cmpi ne, %convert_element_type3A_37, %cond3A_38 : i32
      scf.if %cond3A_39 {
        %dma_wait3A_148 = arith.constant 0 : i32
        %dma_wait3A_149 = tpu.memref_slice %arg4[%mul3A_2, %dma_wait3A_148] : memref<32768x2048xf32, #tpu.memory_space<hbm>> -> memref<8x2048xf32, #tpu.memory_space<hbm>>
        %dma_wait3A_150 = arith.constant 0 : i32
        %dma_wait3A_151 = tpu.memref_slice %arg4[%mul3A_2, %dma_wait3A_150] : memref<32768x2048xf32, #tpu.memory_space<hbm>> -> memref<8x2048xf32, #tpu.memory_space<hbm>>
        tpu.wait_dma2 semaphore(%arg15 : memref<!tpu.dma_semaphore, #tpu.memory_space<semaphore_mem>>) src(%arg7 : memref<8x2048xf32, #tpu.memory_space<vmem>>) dst(%dma_wait3A_151 : memref<8x2048xf32, #tpu.memory_space<hbm>>)
      } else {
      }
      %mul3A_40 = arith.constant 4 : i32
      %mul3A_41 = arith.muli %scan3A_23, %mul3A_40 : i32
      %add3A_42 = arith.constant 1 : i32
      %add3A_43 = arith.addi %mul3A_41, %add3A_42 : i32
      %mul3A_44 = arith.constant 8 : i32
      %mul3A_45 = arith.muli %add3A_43, %mul3A_44 : i32
      %dma_start3A_46 = tpu.memref_slice %arg5[%mul3A_45] : memref<1024xi32, #tpu.memory_space<vmem>> -> memref<8xi32, #tpu.memory_space<vmem>>
      %dma_start3A_47 = arith.constant 0 : i32
      %dma_start3A_48 = arith.constant 0 : i32
      %dma_start3A_49 = tpu.memref_slice %arg2[%dma_start3A_47, %dma_start3A_48] : memref<100000x2048xf32, #tpu.memory_space<hbm>> -> memref<100000x2048xf32, #tpu.memory_space<hbm>>
      tpu.enqueue_indirect_dma source(%dma_start3A_49 : memref<100000x2048xf32, #tpu.memory_space<hbm>>) target(%arg7 : memref<8x2048xf32, #tpu.memory_space<vmem>>) offsets(%dma_start3A_46 : memref<8xi32, #tpu.memory_space<vmem>>) semaphore(%arg11 : memref<!tpu.dma_semaphore, #tpu.memory_space<semaphore_mem>>)
      %gt3A_50 = arith.constant 0 : i32
      %gt3A_51 = arith.cmpi sgt, %scan3A_23, %gt3A_50 : i32
      %convert_element_type3A_52 = arith.extui %gt3A_51 : i1 to i32
      %cond3A_53 = arith.constant 0 : i32
      %cond3A_54 = arith.cmpi ne, %convert_element_type3A_52, %cond3A_53 : i32
      scf.if %cond3A_54 {
        %dma_wait3A_148 = arith.constant 0 : i32
        %dma_wait3A_149 = tpu.memref_slice %arg4[%mul3A_2, %dma_wait3A_148] : memref<32768x2048xf32, #tpu.memory_space<hbm>> -> memref<8x2048xf32, #tpu.memory_space<hbm>>
        %dma_wait3A_150 = arith.constant 0 : i32
        %dma_wait3A_151 = tpu.memref_slice %arg4[%mul3A_2, %dma_wait3A_150] : memref<32768x2048xf32, #tpu.memory_space<hbm>> -> memref<8x2048xf32, #tpu.memory_space<hbm>>
        tpu.wait_dma2 semaphore(%arg16 : memref<!tpu.dma_semaphore, #tpu.memory_space<semaphore_mem>>) src(%arg8 : memref<8x2048xf32, #tpu.memory_space<vmem>>) dst(%dma_wait3A_151 : memref<8x2048xf32, #tpu.memory_space<hbm>>)
      } else {
      }
      %mul3A_55 = arith.constant 4 : i32
      %mul3A_56 = arith.muli %scan3A_23, %mul3A_55 : i32
      %add3A_57 = arith.constant 2 : i32
      %add3A_58 = arith.addi %mul3A_56, %add3A_57 : i32
      %mul3A_59 = arith.constant 8 : i32
      %mul3A_60 = arith.muli %add3A_58, %mul3A_59 : i32
      %dma_start3A_61 = tpu.memref_slice %arg5[%mul3A_60] : memref<1024xi32, #tpu.memory_space<vmem>> -> memref<8xi32, #tpu.memory_space<vmem>>
      %dma_start3A_62 = arith.constant 0 : i32
      %dma_start3A_63 = arith.constant 0 : i32
      %dma_start3A_64 = tpu.memref_slice %arg2[%dma_start3A_62, %dma_start3A_63] : memref<100000x2048xf32, #tpu.memory_space<hbm>> -> memref<100000x2048xf32, #tpu.memory_space<hbm>>
      tpu.enqueue_indirect_dma source(%dma_start3A_64 : memref<100000x2048xf32, #tpu.memory_space<hbm>>) target(%arg8 : memref<8x2048xf32, #tpu.memory_space<vmem>>) offsets(%dma_start3A_61 : memref<8xi32, #tpu.memory_space<vmem>>) semaphore(%arg12 : memref<!tpu.dma_semaphore, #tpu.memory_space<semaphore_mem>>)
      %gt3A_65 = arith.constant 0 : i32
      %gt3A_66 = arith.cmpi sgt, %scan3A_23, %gt3A_65 : i32
      %convert_element_type3A_67 = arith.extui %gt3A_66 : i1 to i32
      %cond3A_68 = arith.constant 0 : i32
      %cond3A_69 = arith.cmpi ne, %convert_element_type3A_67, %cond3A_68 : i32
      scf.if %cond3A_69 {
        %dma_wait3A_148 = arith.constant 0 : i32
        %dma_wait3A_149 = tpu.memref_slice %arg4[%mul3A_2, %dma_wait3A_148] : memref<32768x2048xf32, #tpu.memory_space<hbm>> -> memref<8x2048xf32, #tpu.memory_space<hbm>>
        %dma_wait3A_150 = arith.constant 0 : i32
        %dma_wait3A_151 = tpu.memref_slice %arg4[%mul3A_2, %dma_wait3A_150] : memref<32768x2048xf32, #tpu.memory_space<hbm>> -> memref<8x2048xf32, #tpu.memory_space<hbm>>
        tpu.wait_dma2 semaphore(%arg17 : memref<!tpu.dma_semaphore, #tpu.memory_space<semaphore_mem>>) src(%arg9 : memref<8x2048xf32, #tpu.memory_space<vmem>>) dst(%dma_wait3A_151 : memref<8x2048xf32, #tpu.memory_space<hbm>>)
      } else {
      }
      %mul3A_70 = arith.constant 4 : i32
      %mul3A_71 = arith.muli %scan3A_23, %mul3A_70 : i32
      %add3A_72 = arith.constant 3 : i32
      %add3A_73 = arith.addi %mul3A_71, %add3A_72 : i32
      %mul3A_74 = arith.constant 8 : i32
      %mul3A_75 = arith.muli %add3A_73, %mul3A_74 : i32
      %dma_start3A_76 = tpu.memref_slice %arg5[%mul3A_75] : memref<1024xi32, #tpu.memory_space<vmem>> -> memref<8xi32, #tpu.memory_space<vmem>>
      %dma_start3A_77 = arith.constant 0 : i32
      %dma_start3A_78 = arith.constant 0 : i32
      %dma_start3A_79 = tpu.memref_slice %arg2[%dma_start3A_77, %dma_start3A_78] : memref<100000x2048xf32, #tpu.memory_space<hbm>> -> memref<100000x2048xf32, #tpu.memory_space<hbm>>
      tpu.enqueue_indirect_dma source(%dma_start3A_79 : memref<100000x2048xf32, #tpu.memory_space<hbm>>) target(%arg9 : memref<8x2048xf32, #tpu.memory_space<vmem>>) offsets(%dma_start3A_76 : memref<8xi32, #tpu.memory_space<vmem>>) semaphore(%arg13 : memref<!tpu.dma_semaphore, #tpu.memory_space<semaphore_mem>>)
      %dma_wait3A_80 = arith.constant 0 : i32
      %dma_wait3A_81 = arith.constant 0 : i32
      %dma_wait3A_82 = tpu.memref_slice %arg2[%dma_wait3A_80, %dma_wait3A_81] : memref<100000x2048xf32, #tpu.memory_space<hbm>> -> memref<8x2048xf32, #tpu.memory_space<hbm>>
      %dma_wait3A_83 = arith.constant 0 : i32
      %dma_wait3A_84 = arith.constant 0 : i32
      %dma_wait3A_85 = tpu.memref_slice %arg2[%dma_wait3A_83, %dma_wait3A_84] : memref<100000x2048xf32, #tpu.memory_space<hbm>> -> memref<8x2048xf32, #tpu.memory_space<hbm>>
      tpu.wait_dma2 semaphore(%arg10 : memref<!tpu.dma_semaphore, #tpu.memory_space<semaphore_mem>>) src(%dma_wait3A_85 : memref<8x2048xf32, #tpu.memory_space<hbm>>) dst(%arg6 : memref<8x2048xf32, #tpu.memory_space<vmem>>)
      %mul3A_86 = arith.constant 4 : i32
      %mul3A_87 = arith.muli %scan3A_23, %mul3A_86 : i32
      %add3A_88 = arith.constant 0 : i32
      %add3A_89 = arith.addi %mul3A_87, %add3A_88 : i32
      %mul3A_90 = arith.constant 8 : i32
      %mul3A_91 = arith.muli %add3A_89, %mul3A_90 : i32
      %add3A_92 = arith.addi %mul3A_2, %mul3A_91 : i32
      %dma_start3A_93 = arith.constant 0 : i32
      %dma_start3A_94 = tpu.memref_slice %arg4[%add3A_92, %dma_start3A_93] : memref<32768x2048xf32, #tpu.memory_space<hbm>> -> memref<8x2048xf32, #tpu.memory_space<hbm>>
      %dma_start3A_95 = arith.constant 0 : i32
      %dma_start3A_96 = tpu.memref_slice %arg4[%add3A_92, %dma_start3A_95] : memref<32768x2048xf32, #tpu.memory_space<hbm>> -> memref<8x2048xf32, #tpu.memory_space<hbm>>
      tpu.enqueue_dma source(%arg6 : memref<8x2048xf32, #tpu.memory_space<vmem>>) target(%dma_start3A_96 : memref<8x2048xf32, #tpu.memory_space<hbm>>) target_semaphore(%arg14 : memref<!tpu.dma_semaphore, #tpu.memory_space<semaphore_mem>>)
      %dma_wait3A_97 = arith.constant 0 : i32
      %dma_wait3A_98 = arith.constant 0 : i32
      %dma_wait3A_99 = tpu.memref_slice %arg2[%dma_wait3A_97, %dma_wait3A_98] : memref<100000x2048xf32, #tpu.memory_space<hbm>> -> memref<8x2048xf32, #tpu.memory_space<hbm>>
      %dma_wait3A_100 = arith.constant 0 : i32
      %dma_wait3A_101 = arith.constant 0 : i32
      %dma_wait3A_102 = tpu.memref_slice %arg2[%dma_wait3A_100, %dma_wait3A_101] : memref<100000x2048xf32, #tpu.memory_space<hbm>> -> memref<8x2048xf32, #tpu.memory_space<hbm>>
      tpu.wait_dma2 semaphore(%arg11 : memref<!tpu.dma_semaphore, #tpu.memory_space<semaphore_mem>>) src(%dma_wait3A_102 : memref<8x2048xf32, #tpu.memory_space<hbm>>) dst(%arg7 : memref<8x2048xf32, #tpu.memory_space<vmem>>)
      %mul3A_103 = arith.constant 4 : i32
      %mul3A_104 = arith.muli %scan3A_23, %mul3A_103 : i32
      %add3A_105 = arith.constant 1 : i32
      %add3A_106 = arith.addi %mul3A_104, %add3A_105 : i32
      %mul3A_107 = arith.constant 8 : i32
      %mul3A_108 = arith.muli %add3A_106, %mul3A_107 : i32
      %add3A_109 = arith.addi %mul3A_2, %mul3A_108 : i32
      %dma_start3A_110 = arith.constant 0 : i32
      %dma_start3A_111 = tpu.memref_slice %arg4[%add3A_109, %dma_start3A_110] : memref<32768x2048xf32, #tpu.memory_space<hbm>> -> memref<8x2048xf32, #tpu.memory_space<hbm>>
      %dma_start3A_112 = arith.constant 0 : i32
      %dma_start3A_113 = tpu.memref_slice %arg4[%add3A_109, %dma_start3A_112] : memref<32768x2048xf32, #tpu.memory_space<hbm>> -> memref<8x2048xf32, #tpu.memory_space<hbm>>
      tpu.enqueue_dma source(%arg7 : memref<8x2048xf32, #tpu.memory_space<vmem>>) target(%dma_start3A_113 : memref<8x2048xf32, #tpu.memory_space<hbm>>) target_semaphore(%arg15 : memref<!tpu.dma_semaphore, #tpu.memory_space<semaphore_mem>>)
      %dma_wait3A_114 = arith.constant 0 : i32
      %dma_wait3A_115 = arith.constant 0 : i32
      %dma_wait3A_116 = tpu.memref_slice %arg2[%dma_wait3A_114, %dma_wait3A_115] : memref<100000x2048xf32, #tpu.memory_space<hbm>> -> memref<8x2048xf32, #tpu.memory_space<hbm>>
      %dma_wait3A_117 = arith.constant 0 : i32
      %dma_wait3A_118 = arith.constant 0 : i32
      %dma_wait3A_119 = tpu.memref_slice %arg2[%dma_wait3A_117, %dma_wait3A_118] : memref<100000x2048xf32, #tpu.memory_space<hbm>> -> memref<8x2048xf32, #tpu.memory_space<hbm>>
      tpu.wait_dma2 semaphore(%arg12 : memref<!tpu.dma_semaphore, #tpu.memory_space<semaphore_mem>>) src(%dma_wait3A_119 : memref<8x2048xf32, #tpu.memory_space<hbm>>) dst(%arg8 : memref<8x2048xf32, #tpu.memory_space<vmem>>)
      %mul3A_120 = arith.constant 4 : i32
      %mul3A_121 = arith.muli %scan3A_23, %mul3A_120 : i32
      %add3A_122 = arith.constant 2 : i32
      %add3A_123 = arith.addi %mul3A_121, %add3A_122 : i32
      %mul3A_124 = arith.constant 8 : i32
      %mul3A_125 = arith.muli %add3A_123, %mul3A_124 : i32
      %add3A_126 = arith.addi %mul3A_2, %mul3A_125 : i32
      %dma_start3A_127 = arith.constant 0 : i32
      %dma_start3A_128 = tpu.memref_slice %arg4[%add3A_126, %dma_start3A_127] : memref<32768x2048xf32, #tpu.memory_space<hbm>> -> memref<8x2048xf32, #tpu.memory_space<hbm>>
      %dma_start3A_129 = arith.constant 0 : i32
      %dma_start3A_130 = tpu.memref_slice %arg4[%add3A_126, %dma_start3A_129] : memref<32768x2048xf32, #tpu.memory_space<hbm>> -> memref<8x2048xf32, #tpu.memory_space<hbm>>
      tpu.enqueue_dma source(%arg8 : memref<8x2048xf32, #tpu.memory_space<vmem>>) target(%dma_start3A_130 : memref<8x2048xf32, #tpu.memory_space<hbm>>) target_semaphore(%arg16 : memref<!tpu.dma_semaphore, #tpu.memory_space<semaphore_mem>>)
      %dma_wait3A_131 = arith.constant 0 : i32
      %dma_wait3A_132 = arith.constant 0 : i32
      %dma_wait3A_133 = tpu.memref_slice %arg2[%dma_wait3A_131, %dma_wait3A_132] : memref<100000x2048xf32, #tpu.memory_space<hbm>> -> memref<8x2048xf32, #tpu.memory_space<hbm>>
      %dma_wait3A_134 = arith.constant 0 : i32
      %dma_wait3A_135 = arith.constant 0 : i32
      %dma_wait3A_136 = tpu.memref_slice %arg2[%dma_wait3A_134, %dma_wait3A_135] : memref<100000x2048xf32, #tpu.memory_space<hbm>> -> memref<8x2048xf32, #tpu.memory_space<hbm>>
      tpu.wait_dma2 semaphore(%arg13 : memref<!tpu.dma_semaphore, #tpu.memory_space<semaphore_mem>>) src(%dma_wait3A_136 : memref<8x2048xf32, #tpu.memory_space<hbm>>) dst(%arg9 : memref<8x2048xf32, #tpu.memory_space<vmem>>)
      %mul3A_137 = arith.constant 4 : i32
      %mul3A_138 = arith.muli %scan3A_23, %mul3A_137 : i32
      %add3A_139 = arith.constant 3 : i32
      %add3A_140 = arith.addi %mul3A_138, %add3A_139 : i32
      %mul3A_141 = arith.constant 8 : i32
      %mul3A_142 = arith.muli %add3A_140, %mul3A_141 : i32
      %add3A_143 = arith.addi %mul3A_2, %mul3A_142 : i32
      %dma_start3A_144 = arith.constant 0 : i32
      %dma_start3A_145 = tpu.memref_slice %arg4[%add3A_143, %dma_start3A_144] : memref<32768x2048xf32, #tpu.memory_space<hbm>> -> memref<8x2048xf32, #tpu.memory_space<hbm>>
      %dma_start3A_146 = arith.constant 0 : i32
      %dma_start3A_147 = tpu.memref_slice %arg4[%add3A_143, %dma_start3A_146] : memref<32768x2048xf32, #tpu.memory_space<hbm>> -> memref<8x2048xf32, #tpu.memory_space<hbm>>
      tpu.enqueue_dma source(%arg9 : memref<8x2048xf32, #tpu.memory_space<vmem>>) target(%dma_start3A_147 : memref<8x2048xf32, #tpu.memory_space<hbm>>) target_semaphore(%arg17 : memref<!tpu.dma_semaphore, #tpu.memory_space<semaphore_mem>>)
    }
    %scan3A_7 = arith.constant 32 : i32
    %dma_wait3A = arith.constant 0 : i32
    %dma_wait3A_8 = tpu.memref_slice %arg4[%mul3A_2, %dma_wait3A] : memref<32768x2048xf32, #tpu.memory_space<hbm>> -> memref<8x2048xf32, #tpu.memory_space<hbm>>
    %dma_wait3A_9 = arith.constant 0 : i32
    %dma_wait3A_10 = tpu.memref_slice %arg4[%mul3A_2, %dma_wait3A_9] : memref<32768x2048xf32, #tpu.memory_space<hbm>> -> memref<8x2048xf32, #tpu.memory_space<hbm>>
    tpu.wait_dma2 semaphore(%arg14 : memref<!tpu.dma_semaphore, #tpu.memory_space<semaphore_mem>>) src(%arg6 : memref<8x2048xf32, #tpu.memory_space<vmem>>) dst(%dma_wait3A_10 : memref<8x2048xf32, #tpu.memory_space<hbm>>)
    %dma_wait3A_11 = arith.constant 0 : i32
    %dma_wait3A_12 = tpu.memref_slice %arg4[%mul3A_2, %dma_wait3A_11] : memref<32768x2048xf32, #tpu.memory_space<hbm>> -> memref<8x2048xf32, #tpu.memory_space<hbm>>
    %dma_wait3A_13 = arith.constant 0 : i32
    %dma_wait3A_14 = tpu.memref_slice %arg4[%mul3A_2, %dma_wait3A_13] : memref<32768x2048xf32, #tpu.memory_space<hbm>> -> memref<8x2048xf32, #tpu.memory_space<hbm>>
    tpu.wait_dma2 semaphore(%arg15 : memref<!tpu.dma_semaphore, #tpu.memory_space<semaphore_mem>>) src(%arg7 : memref<8x2048xf32, #tpu.memory_space<vmem>>) dst(%dma_wait3A_14 : memref<8x2048xf32, #tpu.memory_space<hbm>>)
    %dma_wait3A_15 = arith.constant 0 : i32
    %dma_wait3A_16 = tpu.memref_slice %arg4[%mul3A_2, %dma_wait3A_15] : memref<32768x2048xf32, #tpu.memory_space<hbm>> -> memref<8x2048xf32, #tpu.memory_space<hbm>>
    %dma_wait3A_17 = arith.constant 0 : i32
    %dma_wait3A_18 = tpu.memref_slice %arg4[%mul3A_2, %dma_wait3A_17] : memref<32768x2048xf32, #tpu.memory_space<hbm>> -> memref<8x2048xf32, #tpu.memory_space<hbm>>
    tpu.wait_dma2 semaphore(%arg16 : memref<!tpu.dma_semaphore, #tpu.memory_space<semaphore_mem>>) src(%arg8 : memref<8x2048xf32, #tpu.memory_space<vmem>>) dst(%dma_wait3A_18 : memref<8x2048xf32, #tpu.memory_space<hbm>>)
    %dma_wait3A_19 = arith.constant 0 : i32
    %dma_wait3A_20 = tpu.memref_slice %arg4[%mul3A_2, %dma_wait3A_19] : memref<32768x2048xf32, #tpu.memory_space<hbm>> -> memref<8x2048xf32, #tpu.memory_space<hbm>>
    %dma_wait3A_21 = arith.constant 0 : i32
    %dma_wait3A_22 = tpu.memref_slice %arg4[%mul3A_2, %dma_wait3A_21] : memref<32768x2048xf32, #tpu.memory_space<hbm>> -> memref<8x2048xf32, #tpu.memory_space<hbm>>
    tpu.wait_dma2 semaphore(%arg17 : memref<!tpu.dma_semaphore, #tpu.memory_space<semaphore_mem>>) src(%arg9 : memref<8x2048xf32, #tpu.memory_space<vmem>>) dst(%dma_wait3A_22 : memref<8x2048xf32, #tpu.memory_space<hbm>>)
    return
  }
}

</mosaic_0001>

<sc_bundles>
// kernel: kernel.3.cloned.1.call-start
scs
__scs_entry_jumppad:
0x0: {  	(pc) =	sbr.rel $0x88, $3  }
0x1: {  	(tag) =	ssettag $0x0;
	lr =	simm.s32 $0x1  }
0x2: {  	[smem:$0x3F9F] =	sst lr;
	_ =	strace $0xD0000000  }
0x3: {  	_ = 	snop  }
0x4: {  	_ = 	snop  }
0x5: {  	_ = 	snop  }
0x6: {  	_ = 	snop  }
0x7: {  	_ = 	snop  }
__scs_overlays_trampoline_lowered:
0x8: {  	[smem:$0x3FAE] =	sst s0  }
0x9: {  	[smem:$0x3FAF] =	sst s1  }
0xa: {  	[smem:$0x3FB0] =	sst s2  }
0xb: {  	[smem:$0x3FB1] =	sst s3  }
0xc: {  	[smem:$0x3FB2] =	sst s4  }
0xd: {  	[smem:$0x3FB3] =	sst s5  }
0xe: {  	[smem:$0x3FB4] =	sst s6  }
0xf: {  	[smem:$0x3FB5] =	sst s7  }
0x10: {  	[smem:$0x3FB6] =	sst s8  }
0x11: {  	[smem:$0x3FB7] =	sst s9;
	s0 =	simm.s32 @!p0 $0x0  }
0x12: {  	s1 =	sld [smem:$0x3F9D];
	s0 =	simm.s32 @p0 $0x1  }
0x13: {  	[smem:$0x3FB8] =	sst s0;
	s0 =	simm.s32 @!p1 $0x0  }
0x14: {  	s2 =	sld [smem:$0x3F9C];
	s0 =	simm.s32 @p1 $0x1  }
0x15: {  	[smem:$0x3FB9] =	sst s0;
	s0 =	simm.s32 @!p2 $0x0  }
0x16: {  	s3 =	sld [smem:$0x3FDB];
	s0 =	simm.s32 @p2 $0x1  }
0x17: {  	s4 =	simm.s32 $0x1BF5;
	[smem:$0x3FBB] =	sst s0  }
0x18: {  	s0 =	sld [smem:$0x3F9E];
	_ =	swait.ge [sflag:s4], $0x0  }
0x19: {  	s7 =	sld [smem:$0x3F9F]  }
0x1a: {  	s8 =	sadd.s32 $0xFFFFE003, lr  }
0x1b: {  	s9 =	sadd.s32 $0xFFFFFEF7, lr;
	s5 =	simm.s32 $0xFFFFFFFF;
	p2 =	slt.u32 s8, $0xFFFFF086  }
0x1c: {  	p1 =	slt.u32 s9, $0xF7A;
	s5 =	simm.s32 @!p2 $0x0  }
0x1d: {  	s5 =	simm.s32 @p1 $0x1;
	p0 =	seq.s32 s7, s2  }
0x1e: {  	s7 =	smul.u32 @!p0 $0xF7A, s2;
	p2 =	seq.s32 @!p0 s5, $0x0  }
0x1f: {  	s9 =	smul.u32 $0xF7A, s1;
	s8 =	simm.s32 @!p0 $0x1BF5;
	p2 =	por !p2, p0  }
0x20: {  	[sflag:s8] =	ssyncset.s32 @!p0 $0xFFFFF086;
	s6 =	sadd.s32 @!p0 s3, s7;
	s7 =	simm.s32 @!p0 $0x108  }
0x21: {  	s3 =	sadd.s32 s3, s9;
	s6 =	sadd.s32 @!p0 $0x88, s6;
	s7 =	simm.s32 @p2 $0x1082  }
0x22: {  	[simem:s7], [sflag:s8] =	dma.local @!p0 [hbm:s6], $0xF7A  }
0x23: {  	s9 =	sor.u32 $0xD0000000, s2;
	s6 =	simm.s32 $0x108;
	_ =	swait.ge @!p0 [sflag:s8], $0x0  }
0x24: {  	s3 =	sadd.s32 $0x88, s3;
	s6 =	simm.s32 @!p1 $0x1082;
	[sflag:s4] =	ssyncset.s32 $0xFFFFF086  }
0x25: {  	[simem:s6], [sflag:s4] =	dma.local [hbm:s3], $0xF7A  }
0x26: {  	[smem:$0x3F9F] =	sst s1;
	(tag) =	ssettag s2;
	_ =	strace s9  }
0x27: {  	s1 =	sld [smem:$0x3FAF]  }
0x28: {  	s2 =	sld [smem:$0x3FB0]  }
0x29: {  	s4 =	sld [smem:$0x3FB2]  }
0x2a: {  	p0 =	seq.s32 s5, $0x0;
	s5 =	sld [smem:$0x3FB3]  }
0x2b: {  	s6 =	sld [smem:$0x3FB4]  }
0x2c: {  	s7 =	sld [smem:$0x3FB5]  }
0x2d: {  	s3 =	simm.s32 $0x108;
	s8 =	sld [smem:$0x3FB6]  }
0x2e: {  	s3 =	simm.s32 @!p0 $0x1082;
	s9 =	sld [smem:$0x3FB7]  }
0x2f: {  	lr =	sadd.s32 s0, s3;
	s0 =	sld [smem:$0x3FAE]  }
0x30: {  	s3 =	sld [smem:$0x3FB1]  }
0x31: {  	[smem:$0x3FBA] =	sst s10  }
0x32: {  	s10 =	sld [smem:$0x3FB8];
	_ =	sdelay $0x3  }
0x33: {  	p0 =	seq.s32 s10, $0x1;
	s10 =	sld [smem:$0x3FBA];
	_ =	sdelay $0x3  }
0x34: {  	[smem:$0x3FBA] =	sst s10  }
0x35: {  	s10 =	sld [smem:$0x3FB9];
	_ =	sdelay $0x3  }
0x36: {  	p1 =	seq.s32 s10, $0x1;
	s10 =	sld [smem:$0x3FBA];
	_ =	sdelay $0x3  }
0x37: {  	[smem:$0x3FBA] =	sst s10  }
0x38: {  	s10 =	sld [smem:$0x3FBB]  }
0x39: {  	_ = 	snop;
	(pc) =	sbr.ind lr, $3  }
0x3a: {  	_ = 	snop  }
0x3b: {  	_ = 	snop  }
0x3c: {  	p2 =	seq.s32 s10, $0x1;
	s10 =	sld [smem:$0x3FBA]  }
0x3d: {  	_ =	shalt  }
0x3e: {  	_ =	shalt  }
0x3f: {  	_ =	shalt  }
0x40: {  	_ =	shalt  }
0x41: {  	_ =	shalt  }
0x42: {  	_ =	shalt  }
0x43: {  	_ =	shalt  }
0x44: {  	_ =	shalt  }
0x45: {  	_ =	shalt  }
0x46: {  	_ =	shalt  }
0x47: {  	_ =	shalt  }
0x48: {  	_ =	shalt  }
0x49: {  	_ =	shalt  }
0x4a: {  	_ =	shalt  }
0x4b: {  	_ =	shalt  }
0x4c: {  	_ =	shalt  }
0x4d: {  	_ =	shalt  }
0x4e: {  	_ =	shalt  }
0x4f: {  	_ =	shalt  }
0x50: {  	_ =	shalt  }
0x51: {  	_ =	shalt  }
0x52: {  	_ =	shalt  }
0x53: {  	_ =	shalt  }
0x54: {  	_ =	shalt  }
0x55: {  	_ =	shalt  }
0x56: {  	_ =	shalt  }
0x57: {  	_ =	shalt  }
0x58: {  	_ =	shalt  }
0x59: {  	_ =	shalt  }
0x5a: {  	_ =	shalt  }
0x5b: {  	_ =	shalt  }
0x5c: {  	_ =	shalt  }
0x5d: {  	_ =	shalt  }
0x5e: {  	_ =	shalt  }
0x5f: {  	_ =	shalt  }
0x60: {  	_ =	shalt  }
0x61: {  	_ =	shalt  }
0x62: {  	_ =	shalt  }
0x63: {  	_ =	shalt  }
0x64: {  	_ =	shalt  }
0x65: {  	_ =	shalt  }
0x66: {  	_ =	shalt  }
0x67: {  	_ =	shalt  }
0x68: {  	_ =	shalt  }
0x69: {  	_ =	shalt  }
0x6a: {  	_ =	shalt  }
0x6b: {  	_ =	shalt  }
0x6c: {  	_ =	shalt  }
0x6d: {  	_ =	shalt  }
0x6e: {  	_ =	shalt  }
0x6f: {  	_ =	shalt  }
0x70: {  	_ =	shalt  }
0x71: {  	_ =	shalt  }
0x72: {  	_ =	shalt  }
0x73: {  	_ =	shalt  }
0x74: {  	_ =	shalt  }
0x75: {  	_ =	shalt  }
0x76: {  	_ =	shalt  }
0x77: {  	_ =	shalt  }
0x78: {  	_ =	shalt  }
0x79: {  	_ =	shalt  }
0x7a: {  	_ =	shalt  }
0x7b: {  	_ =	shalt  }
0x7c: {  	_ =	shalt  }
0x7d: {  	_ =	shalt  }
0x7e: {  	_ =	shalt  }
0x7f: {  	_ =	shalt  }
0x80: {  	_ =	shalt  }
0x81: {  	_ =	shalt  }
0x82: {  	_ =	shalt  }
0x83: {  	_ =	shalt  }
0x84: {  	_ =	shalt  }
0x85: {  	_ =	shalt  }
0x86: {  	_ =	shalt  }
0x87: {  	_ =	shalt  }
.Lfunc_end0:
.L_simem_size_0:
called_computation_lowered:
.L_overlay_start_0:
0x88: {  	s2 =	sld [smem:$0x3FD9]  }
0x89: {  	s3 =	sld [smem:$0x3FFE];
	_ =	sdelay $0x1  }
0x8a: {  	s1 =	srdreg.scid  }
0x8b: {  	s0 =	sand.u32 $0x1, s1  }
0x8c: {  	s17 =	sshll.u32 s0, $0xA;
	s2 =	sadd.s32 s3, s2  }
0x8d: {  	s2 =	sadd.s32 s2, s17  }
0x8e: {  	[smem:$0x3FC6] =	sst s2  }
0x8f: {  	_ = 	snop  }
0x90: {  	s2 =	sld [smem:$0x3FC8]  }
0x91: {  	s18 =	sld [smem:$0x3FD0];
	(tm) =	ssettm $0x1  }
0x92: {  	s4 =	sld [smem:$0x3FFB];
	_ =	sdelay $0x3  }
0x93: {  	_ =	strace s4  }
0x94: {  	s4 =	sld [smem:$0x3FFC];
	_ =	sdelay $0x3  }
0x95: {  	_ =	strace s4  }
0x96: {  	s4 =	sld [smem:$0x3FFD];
	_ =	sdelay $0x3  }
0x97: {  	_ =	strace s4  }
0x98: {  	_ =	strace $0x8FFFFFFF  }
0x99: {  	s19 =	sld [smem:$0x3FDB];
	_ =	sdelay $0x1  }
0x9a: {  	s5 =	simm.s32 $_scs_section_size  }
0x9b: {  	s6 =	simm.s32 $_size__tile_overlayer_lowered;
	s7 =	simm.s32 $_tile_overlayer_lowered  }
0x9c: {  	s22 =	simm.s32 $0x1BFF;
	s21 =	sshll.u32 s7, $0x1;
	s4 =	sadd.s32 s5, s19  }
0x9d: {  	s8 =	simm.s32 $0x0;
	s20 =	sshll.u32 s6, $0x1;
	s6 =	sadd.s32 s21, s4  }
0x9e: {  	[timem:s8], [sflag:s22] =	dma.local [hbm:s6], s20  }
0x9f: {  	_ =	swait.ge [sflag:s22], s20  }
0xa0: {  	s5 =	ssub.s32 $0x0, s20;
	[sflag:s22] =	ssyncset.done $0x0  }
0xa1: {  	[sflag:s22] =	ssyncadd.s32 s5;
	_ =	sdelay $0x1  }
0xa2: {  	s23 =	simm.s32 $0x1B8B  }
0xa3: {  	_ =	swait.ge [sflag:s23], $0x1  }
0xa4: {  	[sflag:s23] =	ssyncset.done $0x0  }
0xa5: {  	s25 =	simm.s32 $0x1B8E;
	s24 =	sld [smem:$0x3FFE];
	[sflag:s23] =	ssyncadd.s32 $0xFFFFFFFF  }
0xa6: {  	s26 =	simm.s32 $execute0_lowered;
	[smem:$0x3FD2] =	sst s25  }
0xa7: {  	s6 =	sshll.u32 s26, $0x1;
	_ =	strace $0x80000046;
	[dreg:$0x1] =	wrdreg $0xFFFFFFFF  }
0xa8: {  	s28 =	simm.s32 $_size_execute0_lowered;
	s4 =	sadd.s32 s4, s6;
	[dreg:$0x0] =	wrdreg $0x0  }
0xa9: {  	s6 =	sshll.u32 s28, $0x1;
	[dreg:$0x2] =	wrdreg s4  }
0xaa: {  	[dreg:$0x3] =	wrdreg s6  }
0xab: {  	[dreg:$0x4] =	wrdreg $0xC0  }
0xac: {  	_ =	task [dreg:s8], $0x5FFFF  }
0xad: {  	[dreg:$0x1] =	wrdreg $0xFFFFFFFF  }
0xae: {  	[dreg:$0x0] =	wrdreg $0x60  }
0xaf: {  	[dreg:$0x2] =	wrdreg s2  }
0xb0: {  	[dreg:$0x3] =	wrdreg s24  }
0xb1: {  	[dreg:$0x4] =	wrdreg s18  }
0xb2: {  	[dreg:$0x5] =	wrdreg $0x9  }
0xb3: {  	_ =	task.clear_ibuf [dreg:s8], $0x6FFFF;
	_ =	strace $0x90000046  }
0xb4: {  	s29 =	simm.s32 $0x9;
	_ =	strace $0x80000048  }
0xb5: {  	_ =	swait.ge [sflag:s29], $0x1  }
0xb6: {  	[sflag:s29] =	ssyncadd.s32 $0xFFFFFFFF  }
0xb7: {  	_ =	strace $0x90000048  }
0xb8: {  	_ =	sfence  }
0xb9: {  	s30 =	sld [smem:$0x0];
	_ =	sdelay $0x2  }
0xba: {  	s31 =	sshll.u32 s1, $0xD;
	s1 =	sshrl.u32 s1, $0x2  }
0xbb: {  	s3 =	sand.u32 $0x4000, s31;
	s1 =	sadd.s32 s1, s30  }
0xbc: {  	s0 =	sor.u32 s3, s0;
	s1 =	sshll.u32 s1, $0x11  }
0xbd: {  	s0 =	sor.u32 s1, s0  }
0xbe: {  	s0 =	sadd.s32 $0x8F2B, s0  }
0xbf: {  	[sflag:s0] =	ssyncadd.remote.s32 $0x1  }
0xc0: {  	_ =	sfence.sel $0xFFFF  }
0xc1: {  	[dreg:$0x0] =	wrdreg $0xFFFFFFFF;
	(pc) =	sbr.abs _section_cstart, $3  }
0xc2: {  	[dreg:$0x1] =	wrdreg $0xFFFFFFFF  }
0xc3: {  	_ =	task.clear_ibuf [dreg:s8], $0x2FFFF;
	_ =	strace $0x9FFFFFFF  }
0xc4: {  	(tm) =	ssettm $0x7FFFFFFF  }
0xc5: {  	_ =	shalt  }
tec
execute0_lowered:
.L_overlay_start_1:
0x0: {  	(tag) =	ssettag $0x1  }
0x1: {  	s1 =	rddreg [dreg:$0x0]  }
0x2: {  	s0 =	rddreg [dreg:$0x1]  }
0x3: {  	s4 =	rddreg [dreg:$0x2];
	s3 =	simm.s32 $0x0  }
0x4: {  	s22 =	simm.s32 $0xC00;
	[smem:$0x7FF] =	sst s3  }
0x5: {  	s23 =	simm.s32 $0x1400;
	_ =	strace $0x80000047;
	[dreg:$0x5] =	wrdreg s22  }
0x6: {  	s24 =	simm.s32 $0x1C00;
	[dreg:$0x6] =	wrdreg s23  }
0x7: {  	s2 =	stileid.u32;
	s25 =	simm.s32 $0x2400;
	[dreg:$0x7] =	wrdreg s24  }
0x8: {  	s26 =	simm.s32 $0x2C00;
	s6 =	sshll.u32 s2, $0x13;
	[dreg:$0x8] =	wrdreg s25  }
0x9: {  	s31 =	sshll.u32 s2, $0xB;
	s2 =	simm.s32 $0x3400;
	[dreg:$0x9] =	wrdreg s26  }
0xa: {  	s8 =	simm.s32 $0x3C00;
	[dreg:$0xa] =	wrdreg s2  }
0xb: {  	s9 =	simm.s32 $0x4C00;
	[dreg:$0xb] =	wrdreg s8  }
0xc: {  	s5 =	srdreg.scid;
	s10 =	simm.s32 $0x5400;
	[dreg:$0xc] =	wrdreg s9  }
0xd: {  	s11 =	simm.s32 $0x5C00;
	s12 =	simm.s32 $0x6400;
	[dreg:$0xd] =	wrdreg s10  }
0xe: {  	s14 =	simm.s32 $0x6C00;
	s15 =	simm.s32 $0x7400;
	[dreg:$0xe] =	wrdreg s11  }
0xf: {  	s16 =	simm.s32 $0x7C00;
	s17 =	simm.s32 $0x8C00;
	[dreg:$0xf] =	wrdreg s12  }
0x10: {  	s18 =	simm.s32 $0x9400;
	s19 =	simm.s32 $0x9C00;
	[dreg:$0x10] =	wrdreg s14  }
0x11: {  	s20 =	simm.s32 $0xA400;
	s28 =	simm.s32 $0x7;
	[dreg:$0x11] =	wrdreg s15  }
0x12: {  	s29 =	simm.s32 $0x8;
	s30 =	simm.s32 $0x0;
	[dreg:$0x12] =	wrdreg s16  }
0x13: {  	s5 =	sand.u32 $0x1, s5;
	s4 =	sadd.s32 s6, s4;
	[dreg:$0x13] =	wrdreg s17  }
0x14: {  	s21 =	sshll.u32 s5, $0x12;
	s7 =	sshll.u32 s5, $0xA;
	[dreg:$0x14] =	wrdreg s18  }
0x15: {  	s5 =	ssub.s32 $0x2, s5;
	s8 =	sadd.s32 $0x400, s1;
	[dreg:$0x15] =	wrdreg s19  }
0x16: {  	s9 =	sadd.s32 $0x500, s1;
	[dreg:$0x16] =	wrdreg s20;
	s10 =	sadd.s32 $0x600, s1  }
0x17: {  	s22 =	simm.s32 $0xB400;
	s11 =	sadd.s32 $0x700, s1;
	s23 =	simm.s32 $0xBC00  }
0x18: {  	s24 =	simm.s32 $0xCC00;
	s25 =	simm.s32 $0xD400;
	s14 =	simm.s32 $0x400  }
0x19: {  	s26 =	simm.s32 $0xDC00;
	s15 =	simm.s32 $0x4400;
	s16 =	simm.s32 $0x8400  }
0x1a: {  	s17 =	simm.s32 $0xC400;
	s18 =	simm.s32 $0xEC00;
	[dreg:$0x18] =	wrdreg s22  }
0x1b: {  	s19 =	simm.s32 $0xF400;
	s20 =	simm.s32 $0xFC00;
	[dreg:$0x19] =	wrdreg s23  }
0x1c: {  	s4 =	sadd.s32 s21, s4;
	s6 =	sor.u32 s7, s31;
	[dreg:$0x1a] =	wrdreg s24  }
0x1d: {  	s13 =	sshrl.u32 s5, $0x1;
	s7 =	sadd.s32 $0x300, s1;
	[dreg:$0x1b] =	wrdreg s25  }
0x1e: {  	s21 =	simm.s32 $0xAC00;
	[dreg:$0x1c] =	wrdreg s26;
	s31 =	simm.s32 $0xE400  }
0x1f: {  	s22 =	simm.s32 $0x2;
	s23 =	simm.s32 $0x3;
	s24 =	simm.s32 $0x4  }
0x20: {  	s25 =	simm.s32 $0x5;
	s26 =	simm.s32 $0x6;
	[dreg:$0x4] =	wrdreg s4  }
0x21: {  	s6 =	sshrl.u32 s6, $0x3;
	s12 =	ssub.s32 s5, s13;
	s5 =	sadd.s32 $0x100, s1  }
0x22: {  	v0 =	vlaneseq.u32;
	[dreg:$0x17] =	wrdreg s21;
	s13 =	simm.s32 $0x9;
	s0 =	sadd.s32 s6, s0  }
0x23: {  	v1 =	vshrl.u32 v0, $0x3;
	[dreg:$0x1d] =	wrdreg s31;
	s21 =	simm.s32 $0x1;
	s0 =	sadd.s32 $0x400, s0  }
0x24: {  	vm0 =	vmmov $0xffff;
	v0 =	vand.u32 $0x7, v0;
	v1 =	vmul.u32 $0x8, v1;
	s6 =	sadd.s32 $0x200, s1;
	s12 =	smax.u32 s12, $0x1;
	[dreg:$0x1e] =	wrdreg s0  }
.LBB2_1:
0x25: {  	s0 =	rddreg [dreg:$0x1e]  }
0x26: {  	[tilespmem:s3], [sflag:$0x9] =	stream.linear.gather [hbm4b:s0+s3], $0x400, $0x38;
	[tilespmem:$0x10400] =	vst v63  }
0x27: {  	_ =	swait.ge [sflag:s13], $0x400  }
0x28: {  	[sflag:s13] =	ssyncset.done $0x0  }
0x29: {  	s31 =	simm.s32 $0x10;
	s0 =	simm.s32 $0x0;
	[sflag:s13] =	ssyncadd.s32 $0xFFFFFC00  }
.LBB2_2:
0x2a: {  	p0 =	seq.s32 s0, $0x0  }
0x2b: {  	s2 =	simm.s32 @!p0 $0x5  }
0x2c: {  	_ =	swait.ge @!p0 [sflag:s2], $0x4000  }
0x2d: {  	[sflag:s2] =	ssyncset.done @!p0 $0x0  }
0x2e: {  	[sflag:s2] =	ssyncadd.s32 @!p0 $0xFFFFC000  }
0x2f: {  	v2 =	vld.msk [tilespmem:s31+$0xFFFFFFF0], $0xff;
	_ =	sdelay $0x4  }
0x30: {  	v3 =	vshll.u32 v2, $0x4  }
0x31: {  	v2 =	vand.u32 $0x7, v2;
	v3 =	vand.u32 $0xFFFFFF80, v3  }
0x32: {  	v2 =	vor.u32 v2, v3  }
0x33: {  	v2 =	vperm.xlane v2, v0;
	_ =	sdelay $0x1  }
0x34: {  	v2 =	vadd.s32 v1, v2;
	_ =	sdelay $0x4  }
0x35: {  	[tilespmem:s14], [sflag:$0x1] =	stream.indirect_vreg.gather [hbm4b:s1+s3], $0x80, v2, vm0, $0xb8;
	[tilespmem:$0x10400] =	vst v63  }
0x36: {  	s2 =	rddreg [dreg:$0x5]  }
0x37: {  	[tilespmem:s2], [sflag:$0x1] =	stream.indirect_vreg.gather [hbm4b:s5+s3], $0x80, v2, vm0, $0xb8;
	[tilespmem:$0x10400] =	vst v63  }
0x38: {  	s4 =	rddreg [dreg:$0x6]  }
0x39: {  	[tilespmem:s4], [sflag:$0x1] =	stream.indirect_vreg.gather [hbm4b:s6+s3], $0x80, v2, vm0, $0xb8;
	[tilespmem:$0x10400] =	vst v63  }
0x3a: {  	s2 =	rddreg [dreg:$0x7]  }
0x3b: {  	[tilespmem:s2], [sflag:$0x1] =	stream.indirect_vreg.gather [hbm4b:s7+s3], $0x80, v2, vm0, $0xb8;
	[tilespmem:$0x10400] =	vst v63  }
0x3c: {  	s4 =	rddreg [dreg:$0x8]  }
0x3d: {  	[tilespmem:s4], [sflag:$0x1] =	stream.indirect_vreg.gather [hbm4b:s8+s3], $0x80, v2, vm0, $0xb8;
	[tilespmem:$0x10400] =	vst v63  }
0x3e: {  	s2 =	rddreg [dreg:$0x9]  }
0x3f: {  	[tilespmem:s2], [sflag:$0x1] =	stream.indirect_vreg.gather [hbm4b:s9+s3], $0x80, v2, vm0, $0xb8;
	[tilespmem:$0x10400] =	vst v63  }
0x40: {  	s4 =	rddreg [dreg:$0xa]  }
0x41: {  	[tilespmem:s4], [sflag:$0x1] =	stream.indirect_vreg.gather [hbm4b:s10+s3], $0x80, v2, vm0, $0xb8;
	[tilespmem:$0x10400] =	vst v63  }
0x42: {  	s2 =	rddreg [dreg:$0xb]  }
0x43: {  	[tilespmem:s2], [sflag:$0x1] =	stream.indirect_vreg.gather [hbm4b:s11+s3], $0x80, v2, vm0, $0xb8;
	[tilespmem:$0x10400] =	vst v63  }
0x44: {  	s2 =	simm.s32 @!p0 $0x6  }
0x45: {  	_ =	swait.ge @!p0 [sflag:s2], $0x4000  }
0x46: {  	[sflag:s2] =	ssyncset.done @!p0 $0x0  }
0x47: {  	[sflag:s2] =	ssyncadd.s32 @!p0 $0xFFFFC000  }
0x48: {  	v2 =	vld.msk [tilespmem:s31+$0xFFFFFFF8], $0xff;
	_ =	sdelay $0x4  }
0x49: {  	v3 =	vshll.u32 v2, $0x4  }
0x4a: {  	v2 =	vand.u32 $0x7, v2;
	v3 =	vand.u32 $0xFFFFFF80, v3  }
0x4b: {  	v2 =	vor.u32 v2, v3  }
0x4c: {  	v2 =	vperm.xlane v2, v0;
	_ =	sdelay $0x1  }
0x4d: {  	v2 =	vadd.s32 v1, v2;
	_ =	sdelay $0x4  }
0x4e: {  	[tilespmem:s15], [sflag:$0x2] =	stream.indirect_vreg.gather [hbm4b:s1+s3], $0x80, v2, vm0, $0xb8;
	[tilespmem:$0x10400] =	vst v63  }
0x4f: {  	s2 =	rddreg [dreg:$0xc]  }
0x50: {  	[tilespmem:s2], [sflag:$0x2] =	stream.indirect_vreg.gather [hbm4b:s5+s3], $0x80, v2, vm0, $0xb8;
	[tilespmem:$0x10400] =	vst v63  }
0x51: {  	s4 =	rddreg [dreg:$0xd]  }
0x52: {  	[tilespmem:s4], [sflag:$0x2] =	stream.indirect_vreg.gather [hbm4b:s6+s3], $0x80, v2, vm0, $0xb8;
	[tilespmem:$0x10400] =	vst v63  }
0x53: {  	s2 =	rddreg [dreg:$0xe]  }
0x54: {  	[tilespmem:s2], [sflag:$0x2] =	stream.indirect_vreg.gather [hbm4b:s7+s3], $0x80, v2, vm0, $0xb8;
	[tilespmem:$0x10400] =	vst v63  }
0x55: {  	s4 =	rddreg [dreg:$0xf]  }
0x56: {  	[tilespmem:s4], [sflag:$0x2] =	stream.indirect_vreg.gather [hbm4b:s8+s3], $0x80, v2, vm0, $0xb8;
	[tilespmem:$0x10400] =	vst v63  }
0x57: {  	s2 =	rddreg [dreg:$0x10]  }
0x58: {  	[tilespmem:s2], [sflag:$0x2] =	stream.indirect_vreg.gather [hbm4b:s9+s3], $0x80, v2, vm0, $0xb8;
	[tilespmem:$0x10400] =	vst v63  }
0x59: {  	s4 =	rddreg [dreg:$0x11]  }
0x5a: {  	[tilespmem:s4], [sflag:$0x2] =	stream.indirect_vreg.gather [hbm4b:s10+s3], $0x80, v2, vm0, $0xb8;
	[tilespmem:$0x10400] =	vst v63  }
0x5b: {  	s2 =	rddreg [dreg:$0x12]  }
0x5c: {  	[tilespmem:s2], [sflag:$0x2] =	stream.indirect_vreg.gather [hbm4b:s11+s3], $0x80, v2, vm0, $0xb8;
	[tilespmem:$0x10400] =	vst v63  }
0x5d: {  	s2 =	simm.s32 @!p0 $0x7  }
0x5e: {  	_ =	swait.ge @!p0 [sflag:s2], $0x4000  }
0x5f: {  	[sflag:s2] =	ssyncset.done @!p0 $0x0  }
0x60: {  	[sflag:s2] =	ssyncadd.s32 @!p0 $0xFFFFC000  }
0x61: {  	v2 =	vld.msk [tilespmem:s31+$0x0], $0xff;
	_ =	sdelay $0x4  }
0x62: {  	v3 =	vshll.u32 v2, $0x4  }
0x63: {  	v2 =	vand.u32 $0x7, v2;
	v3 =	vand.u32 $0xFFFFFF80, v3  }
0x64: {  	v2 =	vor.u32 v2, v3  }
0x65: {  	v2 =	vperm.xlane v2, v0;
	_ =	sdelay $0x1  }
0x66: {  	v2 =	vadd.s32 v1, v2;
	_ =	sdelay $0x4  }
0x67: {  	[tilespmem:s16], [sflag:$0x3] =	stream.indirect_vreg.gather [hbm4b:s1+s3], $0x80, v2, vm0, $0xb8;
	[tilespmem:$0x10400] =	vst v63  }
0x68: {  	s2 =	rddreg [dreg:$0x13]  }
0x69: {  	[tilespmem:s2], [sflag:$0x3] =	stream.indirect_vreg.gather [hbm4b:s5+s3], $0x80, v2, vm0, $0xb8;
	[tilespmem:$0x10400] =	vst v63  }
0x6a: {  	s4 =	rddreg [dreg:$0x14]  }
0x6b: {  	[tilespmem:s4], [sflag:$0x3] =	stream.indirect_vreg.gather [hbm4b:s6+s3], $0x80, v2, vm0, $0xb8;
	[tilespmem:$0x10400] =	vst v63  }
0x6c: {  	s2 =	rddreg [dreg:$0x15]  }
0x6d: {  	[tilespmem:s2], [sflag:$0x3] =	stream.indirect_vreg.gather [hbm4b:s7+s3], $0x80, v2, vm0, $0xb8;
	[tilespmem:$0x10400] =	vst v63  }
0x6e: {  	s4 =	rddreg [dreg:$0x16]  }
0x6f: {  	[tilespmem:s4], [sflag:$0x3] =	stream.indirect_vreg.gather [hbm4b:s8+s3], $0x80, v2, vm0, $0xb8;
	[tilespmem:$0x10400] =	vst v63  }
0x70: {  	s2 =	rddreg [dreg:$0x17]  }
0x71: {  	[tilespmem:s2], [sflag:$0x3] =	stream.indirect_vreg.gather [hbm4b:s9+s3], $0x80, v2, vm0, $0xb8;
	[tilespmem:$0x10400] =	vst v63  }
0x72: {  	s4 =	rddreg [dreg:$0x18]  }
0x73: {  	[tilespmem:s4], [sflag:$0x3] =	stream.indirect_vreg.gather [hbm4b:s10+s3], $0x80, v2, vm0, $0xb8;
	[tilespmem:$0x10400] =	vst v63  }
0x74: {  	s2 =	rddreg [dreg:$0x19]  }
0x75: {  	[tilespmem:s2], [sflag:$0x3] =	stream.indirect_vreg.gather [hbm4b:s11+s3], $0x80, v2, vm0, $0xb8;
	[tilespmem:$0x10400] =	vst v63  }
0x76: {  	s2 =	simm.s32 @!p0 $0x8  }
0x77: {  	_ =	swait.ge @!p0 [sflag:s2], $0x4000  }
0x78: {  	[sflag:s2] =	ssyncset.done @!p0 $0x0  }
0x79: {  	[sflag:s2] =	ssyncadd.s32 @!p0 $0xFFFFC000  }
0x7a: {  	v2 =	vld.msk [tilespmem:s31+$0x8], $0xff;
	_ =	sdelay $0x4  }
0x7b: {  	v3 =	vshll.u32 v2, $0x4  }
0x7c: {  	v2 =	vand.u32 $0x7, v2;
	v3 =	vand.u32 $0xFFFFFF80, v3  }
0x7d: {  	v2 =	vor.u32 v2, v3  }
0x7e: {  	v2 =	vperm.xlane v2, v0;
	_ =	sdelay $0x1  }
0x7f: {  	v2 =	vadd.s32 v1, v2;
	_ =	sdelay $0x4  }
0x80: {  	[tilespmem:s17], [sflag:$0x4] =	stream.indirect_vreg.gather [hbm4b:s1+s3], $0x80, v2, vm0, $0xb8;
	[tilespmem:$0x10400] =	vst v63  }
0x81: {  	s2 =	rddreg [dreg:$0x1a]  }
0x82: {  	[tilespmem:s2], [sflag:$0x4] =	stream.indirect_vreg.gather [hbm4b:s5+s3], $0x80, v2, vm0, $0xb8;
	[tilespmem:$0x10400] =	vst v63  }
0x83: {  	s4 =	rddreg [dreg:$0x1b]  }
0x84: {  	[tilespmem:s4], [sflag:$0x4] =	stream.indirect_vreg.gather [hbm4b:s6+s3], $0x80, v2, vm0, $0xb8;
	[tilespmem:$0x10400] =	vst v63  }
0x85: {  	s2 =	rddreg [dreg:$0x1c]  }
0x86: {  	[tilespmem:s2], [sflag:$0x4] =	stream.indirect_vreg.gather [hbm4b:s7+s3], $0x80, v2, vm0, $0xb8;
	[tilespmem:$0x10400] =	vst v63  }
0x87: {  	s4 =	rddreg [dreg:$0x1d]  }
0x88: {  	[tilespmem:s4], [sflag:$0x4] =	stream.indirect_vreg.gather [hbm4b:s8+s3], $0x80, v2, vm0, $0xb8;
	[tilespmem:$0x10400] =	vst v63  }
0x89: {  	_ = 	snop  }
0x8a: {  	[tilespmem:s18], [sflag:$0x4] =	stream.indirect_vreg.gather [hbm4b:s9+s3], $0x80, v2, vm0, $0xb8;
	[tilespmem:$0x10400] =	vst v63  }
0x8b: {  	_ = 	snop  }
0x8c: {  	[tilespmem:s19], [sflag:$0x4] =	stream.indirect_vreg.gather [hbm4b:s10+s3], $0x80, v2, vm0, $0xb8;
	[tilespmem:$0x10400] =	vst v63  }
0x8d: {  	_ = 	snop  }
0x8e: {  	[tilespmem:s20], [sflag:$0x4] =	stream.indirect_vreg.gather [hbm4b:s11+s3], $0x80, v2, vm0, $0xb8;
	[tilespmem:$0x10400] =	vst v63  }
0x8f: {  	_ =	swait.ge [sflag:s21], $0x4000  }
0x90: {  	s4 =	rddreg [dreg:$0x4];
	[sflag:s21] =	ssyncset.done $0x0  }
0x91: {  	[sflag:s21] =	ssyncadd.s32 $0xFFFFC000;
	s2 =	sadd.s32 s0, s4  }
0x92: {  	[hbm4b:s2+s3] =	stream.linear.scatter [tilespmem:s14], [sflag:$0x5], $0x4000, $0x38;
	[tilespmem:$0x10400] =	vst v63  }
0x93: {  	_ =	swait.ge [sflag:s22], $0x4000  }
0x94: {  	[sflag:s22] =	ssyncset.done $0x0  }
0x95: {  	s4 =	sadd.s32 $0x800, s2;
	[sflag:s22] =	ssyncadd.s32 $0xFFFFC000  }
0x96: {  	[hbm4b:s4+s3] =	stream.linear.scatter [tilespmem:s15], [sflag:$0x6], $0x4000, $0x38;
	[tilespmem:$0x10400] =	vst v63  }
0x97: {  	_ =	swait.ge [sflag:s23], $0x4000  }
0x98: {  	s0 =	sadd.s32 $0x2000, s0;
	[sflag:s23] =	ssyncset.done $0x0  }
0x99: {  	p0 =	sne.s32 s0, $0x40000;
	s4 =	sadd.s32 $0x1000, s2;
	[sflag:s23] =	ssyncadd.s32 $0xFFFFC000  }
0x9a: {  	[hbm4b:s4+s3] =	stream.linear.scatter [tilespmem:s16], [sflag:$0x7], $0x4000, $0x38;
	[tilespmem:$0x10400] =	vst v63  }
.Ltmp0:
0x9b: {  	_ = 	snop;
	(pc) =	sbr.rel @p0 .LBB2_2-.Ltmp0, $4  }
0x9c: {  	_ =	swait.ge [sflag:s24], $0x4000  }
0x9d: {  	[sflag:s24] =	ssyncset.done $0x0  }
0x9e: {  	s31 =	sadd.s32 $0x20, s31;
	s2 =	sadd.s32 $0x1800, s2;
	[sflag:s24] =	ssyncadd.s32 $0xFFFFC000  }
0x9f: {  	[hbm4b:s2+s3] =	stream.linear.scatter [tilespmem:s17], [sflag:$0x8], $0x4000, $0x38;
	[tilespmem:$0x10400] =	vst v63  }
0xa0: {  	_ =	swait.ge [sflag:s25], $0x4000  }
0xa1: {  	[sflag:s25] =	ssyncset.done $0x0  }
0xa2: {  	[sflag:s25] =	ssyncadd.s32 $0xFFFFC000  }
0xa3: {  	_ =	swait.ge [sflag:s26], $0x4000  }
0xa4: {  	[sflag:s26] =	ssyncset.done $0x0  }
0xa5: {  	s30 =	sadd.s32 $0x1, s30;
	[sflag:s26] =	ssyncadd.s32 $0xFFFFC000  }
0xa6: {  	p0 =	sne.s32 s30, s12;
	_ =	swait.ge [sflag:s28], $0x4000  }
.Ltmp1:
0xa7: {  	[sflag:s28] =	ssyncset.done $0x0;
	(pc) =	sbr.rel @p0 .LBB2_1-.Ltmp1, $4  }
0xa8: {  	[sflag:s28] =	ssyncadd.s32 $0xFFFFC000  }
0xa9: {  	_ =	swait.ge [sflag:s29], $0x4000  }
0xaa: {  	[sflag:s29] =	ssyncset.done $0x0  }
0xab: {  	[sflag:s29] =	ssyncadd.s32 $0xFFFFC000  }
0xac: {  	_ =	sfence.sel $0x180000  }
0xad: {  	[bflag:$0x0] =	sbarrier.arrive $0xFFFF  }
0xae: {  	_ =	strace $0x90000047  }
0xaf: {  	s0 =	stileid.u32;
	[bflag:$0x2] =	sbarrier.arrive $0xFFFF  }
0xb0: {  	p0 =	sne.s32 s0, $0x0;
	s0 =	rddreg [dreg:$0x3]  }
0xb1: {  	s0 =	sadd.s32 @!p0 $0x100000, s0  }
0xb2: {  	[sflag:s0] =	ssyncadd.tile.s32 @!p0 $0x1;
	_ =	shalt  }
.Lfunc_end2:
_tile_overlayer_lowered:
.L_overlay_start_2:
0xb3: {  	(tag) =	ssettag $0x2  }
0xb4: {  	s0 =	rddreg [dreg:$0x0];
	s2 =	stileid.u32  }
0xb5: {  	s1 =	rddreg [dreg:$0x1];
	p0 =	sne.s32 s2, $0x0  }
0xb6: {  	s3 =	rddreg [dreg:$0x2];
	[bflag:$0x3] =	sbarrier.arrive $0xFFFF;
	s2 =	simm.s32 @!p0 $0x1C09  }
0xb7: {  	[timem:s3], [sflag:s2] =	dma.local @!p0 [hbm:s0], s1  }
0xb8: {  	s0 =	simm.s32 @!p0 $0x9  }
0xb9: {  	_ =	swait.ge @!p0 [sflag:s0], s1  }
0xba: {  	s1 =	ssub.s32 @!p0 $0x0, s1;
	[sflag:s0] =	ssyncset.done @!p0 $0x0  }
0xbb: {  	[sflag:s0] =	ssyncadd.s32 @!p0 s1  }
0xbc: {  	[bflag:$0x3] =	sbarrier.arrive $0xFFFF  }
0xbd: {  	_ =	shalt  }

</sc_bundles>
